<compile_context>
chip_gen: v7x
topology: tpu7x:2x2x1
jax: 0.10.2.dev20260603
libtpu: 0.0.44.dev20260713+nightly
codegen_flags: <defaults>
</compile_context>

<pallas_src>
import jax
import jax.numpy as jnp
from jax import lax
from jax.experimental import pallas as pl
from jax.experimental.pallas import tpu as pltpu
from jax.experimental.pallas import tpu_sc as plsc

MAXLEN = 2048
BATCH = 16384
NC, NS, L = 2, 16, 16
NW = NC * NS
TC_ROWS = 15360
SC_ROWS = BATCH - TC_ROWS
BPW = SC_ROWS // NW
CHUNK = L
NCHUNK = BPW // CHUNK
NBUF = 2
TC_BLOCK = 512


def _wrap_clip(v):
    v = v - 1
    v = jnp.where(v < 0, v + MAXLEN, v)
    return jnp.minimum(jnp.maximum(v, 0), MAXLEN - 1)


def _sc_body(len_hbm, table_hbm, out_hbm, len_v, bufs, sems):
    wid = lax.axis_index("s") * NC + lax.axis_index("c")
    row_base = TC_ROWS + wid * BPW

    pltpu.sync_copy(len_hbm.at[pl.ds(TC_ROWS // L + wid * NCHUNK, NCHUNK)], len_v)

    def idx_for(g):
        return _wrap_clip(len_v[g])

    copies = [None] * NBUF
    copies[0] = pltpu.make_async_copy(table_hbm.at[idx_for(0)], bufs[0], sems[0])
    copies[0].start()
    for g in range(NCHUNK):
        b = g % NBUF
        nb = (g + 1) % NBUF
        if g + 1 < NCHUNK:
            copies[nb] = pltpu.make_async_copy(
                table_hbm.at[idx_for(g + 1)], bufs[nb], sems[nb])
            copies[nb].start()
        copies[b].wait()
        pltpu.sync_copy(bufs[b], out_hbm.at[pl.ds(row_base + g * CHUNK, CHUNK)])


def _tc_body(len_ref, buf_ref, out_ref):
    del buf_ref
    i = _wrap_clip(len_ref[0, 0, :])
    cols = lax.broadcasted_iota(jnp.int32, (TC_BLOCK, MAXLEN), 1)
    out_ref[...] = (cols > i[:, None]).astype(jnp.float32)


@jax.jit
def _make_pad_mask(len2, mask_pad):
    mesh = plsc.VectorSubcoreMesh(core_axis_name="c", subcore_axis_name="s")
    buf = pl.kernel(
        _sc_body,
        out_type=jax.ShapeDtypeStruct((BATCH, MAXLEN), jnp.float32),
        mesh=mesh,
        scratch_types=[
            pltpu.VMEM((NCHUNK, L), jnp.int32),
            [pltpu.VMEM((CHUNK, MAXLEN), jnp.float32) for _ in range(NBUF)],
            [pltpu.SemaphoreType.DMA for _ in range(NBUF)],
        ],
    )(len2, mask_pad)

    len3 = len2.reshape(BATCH // TC_BLOCK, 1, TC_BLOCK)
    return pl.pallas_call(
        _tc_body,
        grid=(TC_ROWS // TC_BLOCK,),
        in_specs=[
            pl.BlockSpec((1, 1, TC_BLOCK), lambda i: (i, 0, 0)),
            pl.BlockSpec(memory_space=pltpu.MemorySpace.HBM),
        ],
        out_specs=pl.BlockSpec((TC_BLOCK, MAXLEN), lambda i: (i, 0)),
        out_shape=jax.ShapeDtypeStruct((BATCH, MAXLEN), jnp.float32),
        input_output_aliases={1: 0},
    )(len3, buf)


def kernel(lengths, maxlen, mask_pad):
    adj = jnp.asarray(maxlen).astype(jnp.int32) - mask_pad.shape[-1]
    len2 = (lengths.astype(jnp.int32) + adj).reshape(BATCH // L, L)
    return _make_pad_mask(len2, mask_pad)

# --- scband reference (transcript-rebuilt; emitter-appended) ---
"""Pipeline reference for scband-make-pad-mask-39505109188806 (READ-ONLY COPY).

The authoritative reference and input builder live on the scoring server;
editing this copy changes nothing except your own understanding.
"""

import jax, jax.numpy as jnp
import numpy as np

MAX_SEQ_LEN = 2048
BATCH = 16384


def setup_inputs(seed: int = 0) -> dict:
    key = jax.random.key(seed)
    k1, _ = jax.random.split(key)
    lengths = jax.random.randint(k1, (BATCH,), 0, MAX_SEQ_LEN).astype(jnp.int32)
    # flip=True buffer: 1 - tri(max_seq_len), stored as float32 (0/1 values) so the
    # gather->float cast is fused; identical math to torch bool->float path.
    mask_pad = jnp.asarray(1.0 - np.tri(MAX_SEQ_LEN), dtype=jnp.float32)
    return {"lengths": lengths, "maxlen": MAX_SEQ_LEN, "mask_pad": mask_pad}


def reference(lengths, maxlen, mask_pad):
    # length_dim = -1, xs = None, maxlen given explicitly -> m = maxlen (static)
    lengths = lengths.astype(jnp.int32)
    m = mask_pad.shape[-1]
    maxlen = jnp.asarray(maxlen).astype(jnp.int32)
    indices = (lengths - 1 + (maxlen - m)).astype(jnp.int32)
    # row-gather into the (flipped) triangular table, then slice to m columns
    mask = mask_pad[indices][..., :m].astype(jnp.float32)
    return mask

if __name__ == "__main__":
    import jax
    _d = setup_inputs()
    print(jax.jit(kernel)(*tuple(_d.values())))

</pallas_src>

<mosaic_0001>
#map = affine_map<(d0, d1) -> (0, 0)>
module attributes {stable_mosaic.version = 14 : i64} {
  func.func @_sc_body(%arg0: i32, %arg1: i32, %arg2: memref<1024x16xi32, #tpu.memory_space<hbm>>, %arg3: memref<2048x2048xf32, #tpu.memory_space<hbm>>, %arg4: memref<16384x2048xf32, #tpu.memory_space<hbm>>, %arg5: memref<2x16xi32, #tpu.memory_space<vmem>>, %arg6: memref<16x2048xf32, #tpu.memory_space<vmem>>, %arg7: memref<16x2048xf32, #tpu.memory_space<vmem>>, %arg8: memref<!tpu.dma_semaphore, #tpu.memory_space<semaphore_mem>>, %arg9: memref<!tpu.dma_semaphore, #tpu.memory_space<semaphore_mem>>) attributes {dimension_semantics = [#tpu.dimension_semantics<core_parallel>, #tpu.dimension_semantics<subcore_parallel>], iteration_bounds = array<i64: 2, 16>, scalar_prefetch = 0 : i64, scratch_operands = 5 : i64, tpu.core_type = #tpu.core_type<sc_vector_subcore>, window_params = [{transform_indices = #map}, {transform_indices = #map}, {transform_indices = #map}]} {
    %mul3A = arith.constant 2 : i32
    %mul3A_0 = arith.muli %arg1, %mul3A : i32
    %add3A = arith.addi %mul3A_0, %arg0 : i32
    %mul3A_1 = arith.constant 32 : i32
    %mul3A_2 = arith.muli %add3A, %mul3A_1 : i32
    %add3A_3 = arith.constant 15360 : i32
    %add3A_4 = arith.addi %add3A_3, %mul3A_2 : i32
    %mul3A_5 = arith.constant 2 : i32
    %mul3A_6 = arith.muli %add3A, %mul3A_5 : i32
    %add3A_7 = arith.constant 960 : i32
    %add3A_8 = arith.addi %add3A_7, %mul3A_6 : i32
    "tpu.region"() ({
      %run_scoped3A = tpu.sem_alloc : memref<!tpu.dma_semaphore, #tpu.memory_space<semaphore_mem>>
      %dma_start3A_59 = arith.constant 0 : i32
      %dma_start3A_60 = tpu.memref_slice %arg2[%add3A_8, %dma_start3A_59] : memref<1024x16xi32, #tpu.memory_space<hbm>> -> memref<2x16xi32, #tpu.memory_space<hbm>>
      %dma_start3A_61 = arith.constant 0 : i32
      %dma_start3A_62 = tpu.memref_slice %arg2[%add3A_8, %dma_start3A_61] : memref<1024x16xi32, #tpu.memory_space<hbm>> -> memref<2x16xi32, #tpu.memory_space<hbm>>
      tpu.enqueue_dma source(%dma_start3A_62 : memref<2x16xi32, #tpu.memory_space<hbm>>) target(%arg5 : memref<2x16xi32, #tpu.memory_space<vmem>>) target_semaphore(%run_scoped3A : memref<!tpu.dma_semaphore, #tpu.memory_space<semaphore_mem>>)
      %dma_wait3A_63 = arith.constant 0 : i32
      %dma_wait3A_64 = tpu.memref_slice %arg2[%add3A_8, %dma_wait3A_63] : memref<1024x16xi32, #tpu.memory_space<hbm>> -> memref<2x16xi32, #tpu.memory_space<hbm>>
      %dma_wait3A_65 = arith.constant 0 : i32
      %dma_wait3A_66 = tpu.memref_slice %arg2[%add3A_8, %dma_wait3A_65] : memref<1024x16xi32, #tpu.memory_space<hbm>> -> memref<2x16xi32, #tpu.memory_space<hbm>>
      tpu.wait_dma2 semaphore(%run_scoped3A : memref<!tpu.dma_semaphore, #tpu.memory_space<semaphore_mem>>) src(%dma_wait3A_66 : memref<2x16xi32, #tpu.memory_space<hbm>>) dst(%arg5 : memref<2x16xi32, #tpu.memory_space<vmem>>)
      tpu.yield
    }) : () -> ()
    %get3A = arith.constant 0 : i32
    %get3A_9 = arith.index_cast %get3A : i32 to index
    %get3A_10 = arith.constant 0 : index
    %get3A_11 = tpu.vector_load %arg5[%get3A_9, %get3A_10] {strides = array<i32>} : memref<2x16xi32, #tpu.memory_space<vmem>>, vector<1x16xi32>,
    %get3A_12 = vector.shape_cast %get3A_11 : vector<1x16xi32> to vector<16xi32>
    %sub3A = arith.constant 1 : i32
    %sub3A_13 = vector.broadcast %sub3A : i32 to vector<16xi32>
    %sub3A_14 = arith.subi %get3A_12, %sub3A_13 : vector<16xi32>
    %lt3A = arith.constant 0 : i32
    %lt3A_15 = vector.broadcast %lt3A : i32 to vector<16xi32>
    %lt3A_16 = arith.cmpi slt, %sub3A_14, %lt3A_15 : vector<16xi32>
    %add3A_17 = arith.constant 2048 : i32
    %add3A_18 = vector.broadcast %add3A_17 : i32 to vector<16xi32>
    %add3A_19 = arith.addi %sub3A_14, %add3A_18 : vector<16xi32>
    %select_n3A = arith.select %lt3A_16, %add3A_19, %sub3A_14 : vector<16xi1>, vector<16xi32>
    %max3A = arith.constant 0 : i32
    %max3A_20 = vector.broadcast %max3A : i32 to vector<16xi32>
    %max3A_21 = arith.maxsi %select_n3A, %max3A_20 : vector<16xi32>
    %min3A = arith.constant 2047 : i32
    %min3A_22 = vector.broadcast %min3A : i32 to vector<16xi32>
    %min3A_23 = arith.minsi %max3A_21, %min3A_22 : vector<16xi32>
    %dma_start3A = arith.constant 0 : i32
    %dma_start3A_24 = arith.constant 0 : i32
    %dma_start3A_25 = tpu.memref_slice %arg3[%dma_start3A, %dma_start3A_24] : memref<2048x2048xf32, #tpu.memory_space<hbm>> -> memref<2048x2048xf32, #tpu.memory_space<hbm>>
    tpu.enqueue_indirect_dma source(%dma_start3A_25 : memref<2048x2048xf32, #tpu.memory_space<hbm>>) target(%arg6 : memref<16x2048xf32, #tpu.memory_space<vmem>>) offsets(%min3A_23 : vector<16xi32>) semaphore(%arg8 : memref<!tpu.dma_semaphore, #tpu.memory_space<semaphore_mem>>)
    %get3A_26 = arith.constant 1 : i32
    %get3A_27 = arith.index_cast %get3A_26 : i32 to index
    %get3A_28 = arith.constant 0 : index
    %get3A_29 = tpu.vector_load %arg5[%get3A_27, %get3A_28] {strides = array<i32>} : memref<2x16xi32, #tpu.memory_space<vmem>>, vector<1x16xi32>,
    %get3A_30 = vector.shape_cast %get3A_29 : vector<1x16xi32> to vector<16xi32>
    %sub3A_31 = arith.constant 1 : i32
    %sub3A_32 = vector.broadcast %sub3A_31 : i32 to vector<16xi32>
    %sub3A_33 = arith.subi %get3A_30, %sub3A_32 : vector<16xi32>
    %lt3A_34 = arith.constant 0 : i32
    %lt3A_35 = vector.broadcast %lt3A_34 : i32 to vector<16xi32>
    %lt3A_36 = arith.cmpi slt, %sub3A_33, %lt3A_35 : vector<16xi32>
    %add3A_37 = arith.constant 2048 : i32
    %add3A_38 = vector.broadcast %add3A_37 : i32 to vector<16xi32>
    %add3A_39 = arith.addi %sub3A_33, %add3A_38 : vector<16xi32>
    %select_n3A_40 = arith.select %lt3A_36, %add3A_39, %sub3A_33 : vector<16xi1>, vector<16xi32>
    %max3A_41 = arith.constant 0 : i32
    %max3A_42 = vector.broadcast %max3A_41 : i32 to vector<16xi32>
    %max3A_43 = arith.maxsi %select_n3A_40, %max3A_42 : vector<16xi32>
    %min3A_44 = arith.constant 2047 : i32
    %min3A_45 = vector.broadcast %min3A_44 : i32 to vector<16xi32>
    %min3A_46 = arith.minsi %max3A_43, %min3A_45 : vector<16xi32>
    %dma_start3A_47 = arith.constant 0 : i32
    %dma_start3A_48 = arith.constant 0 : i32
    %dma_start3A_49 = tpu.memref_slice %arg3[%dma_start3A_47, %dma_start3A_48] : memref<2048x2048xf32, #tpu.memory_space<hbm>> -> memref<2048x2048xf32, #tpu.memory_space<hbm>>
    tpu.enqueue_indirect_dma source(%dma_start3A_49 : memref<2048x2048xf32, #tpu.memory_space<hbm>>) target(%arg7 : memref<16x2048xf32, #tpu.memory_space<vmem>>) offsets(%min3A_46 : vector<16xi32>) semaphore(%arg9 : memref<!tpu.dma_semaphore, #tpu.memory_space<semaphore_mem>>)
    %dma_wait3A = arith.constant 0 : i32
    %dma_wait3A_50 = arith.constant 0 : i32
    %dma_wait3A_51 = tpu.memref_slice %arg3[%dma_wait3A, %dma_wait3A_50] : memref<2048x2048xf32, #tpu.memory_space<hbm>> -> memref<2048x2048xf32, #tpu.memory_space<hbm>>
    tpu.wait_indirect_dma semaphore(%arg8 : memref<!tpu.dma_semaphore, #tpu.memory_space<semaphore_mem>>) src(%dma_wait3A_51 : memref<2048x2048xf32, #tpu.memory_space<hbm>>) dst(%arg6 : memref<16x2048xf32, #tpu.memory_space<vmem>>)
    %add3A_52 = arith.constant 0 : i32
    %add3A_53 = arith.addi %add3A_4, %add3A_52 : i32
    "tpu.region"() ({
      %run_scoped3A = tpu.sem_alloc : memref<!tpu.dma_semaphore, #tpu.memory_space<semaphore_mem>>
      %dma_start3A_59 = arith.constant 0 : i32
      %dma_start3A_60 = tpu.memref_slice %arg4[%add3A_53, %dma_start3A_59] : memref<16384x2048xf32, #tpu.memory_space<hbm>> -> memref<16x2048xf32, #tpu.memory_space<hbm>>
      %dma_start3A_61 = arith.constant 0 : i32
      %dma_start3A_62 = tpu.memref_slice %arg4[%add3A_53, %dma_start3A_61] : memref<16384x2048xf32, #tpu.memory_space<hbm>> -> memref<16x2048xf32, #tpu.memory_space<hbm>>
      tpu.enqueue_dma source(%arg6 : memref<16x2048xf32, #tpu.memory_space<vmem>>) target(%dma_start3A_62 : memref<16x2048xf32, #tpu.memory_space<hbm>>) target_semaphore(%run_scoped3A : memref<!tpu.dma_semaphore, #tpu.memory_space<semaphore_mem>>)
      %dma_wait3A_63 = arith.constant 0 : i32
      %dma_wait3A_64 = tpu.memref_slice %arg4[%add3A_53, %dma_wait3A_63] : memref<16384x2048xf32, #tpu.memory_space<hbm>> -> memref<16x2048xf32, #tpu.memory_space<hbm>>
      %dma_wait3A_65 = arith.constant 0 : i32
      %dma_wait3A_66 = tpu.memref_slice %arg4[%add3A_53, %dma_wait3A_65] : memref<16384x2048xf32, #tpu.memory_space<hbm>> -> memref<16x2048xf32, #tpu.memory_space<hbm>>
      tpu.wait_dma2 semaphore(%run_scoped3A : memref<!tpu.dma_semaphore, #tpu.memory_space<semaphore_mem>>) src(%arg6 : memref<16x2048xf32, #tpu.memory_space<vmem>>) dst(%dma_wait3A_66 : memref<16x2048xf32, #tpu.memory_space<hbm>>)
      tpu.yield
    }) : () -> ()
    %dma_wait3A_54 = arith.constant 0 : i32
    %dma_wait3A_55 = arith.constant 0 : i32
    %dma_wait3A_56 = tpu.memref_slice %arg3[%dma_wait3A_54, %dma_wait3A_55] : memref<2048x2048xf32, #tpu.memory_space<hbm>> -> memref<2048x2048xf32, #tpu.memory_space<hbm>>
    tpu.wait_indirect_dma semaphore(%arg9 : memref<!tpu.dma_semaphore, #tpu.memory_space<semaphore_mem>>) src(%dma_wait3A_56 : memref<2048x2048xf32, #tpu.memory_space<hbm>>) dst(%arg7 : memref<16x2048xf32, #tpu.memory_space<vmem>>)
    %add3A_57 = arith.constant 16 : i32
    %add3A_58 = arith.addi %add3A_4, %add3A_57 : i32
    "tpu.region"() ({
      %run_scoped3A = tpu.sem_alloc : memref<!tpu.dma_semaphore, #tpu.memory_space<semaphore_mem>>
      %dma_start3A_59 = arith.constant 0 : i32
      %dma_start3A_60 = tpu.memref_slice %arg4[%add3A_58, %dma_start3A_59] : memref<16384x2048xf32, #tpu.memory_space<hbm>> -> memref<16x2048xf32, #tpu.memory_space<hbm>>
      %dma_start3A_61 = arith.constant 0 : i32
      %dma_start3A_62 = tpu.memref_slice %arg4[%add3A_58, %dma_start3A_61] : memref<16384x2048xf32, #tpu.memory_space<hbm>> -> memref<16x2048xf32, #tpu.memory_space<hbm>>
      tpu.enqueue_dma source(%arg7 : memref<16x2048xf32, #tpu.memory_space<vmem>>) target(%dma_start3A_62 : memref<16x2048xf32, #tpu.memory_space<hbm>>) target_semaphore(%run_scoped3A : memref<!tpu.dma_semaphore, #tpu.memory_space<semaphore_mem>>)
      %dma_wait3A_63 = arith.constant 0 : i32
      %dma_wait3A_64 = tpu.memref_slice %arg4[%add3A_58, %dma_wait3A_63] : memref<16384x2048xf32, #tpu.memory_space<hbm>> -> memref<16x2048xf32, #tpu.memory_space<hbm>>
      %dma_wait3A_65 = arith.constant 0 : i32
      %dma_wait3A_66 = tpu.memref_slice %arg4[%add3A_58, %dma_wait3A_65] : memref<16384x2048xf32, #tpu.memory_space<hbm>> -> memref<16x2048xf32, #tpu.memory_space<hbm>>
      tpu.wait_dma2 semaphore(%run_scoped3A : memref<!tpu.dma_semaphore, #tpu.memory_space<semaphore_mem>>) src(%arg7 : memref<16x2048xf32, #tpu.memory_space<vmem>>) dst(%dma_wait3A_66 : memref<16x2048xf32, #tpu.memory_space<hbm>>)
      tpu.yield
    }) : () -> ()
    return
  }
}

module attributes {stable_mosaic.version = 14 : i64} {
  func.func @_tc_body(%arg0: i32, %arg1: memref<1x1x512xi32, #tpu.memory_space<vmem>>, %arg2: memref<16384x2048xf32, #tpu.memory_space<hbm>>, %arg3: memref<512x2048xf32, #tpu.memory_space<vmem>>) attributes {dimension_semantics = [#tpu.dimension_semantics<arbitrary>], iteration_bounds = array<i64: 30>, scalar_prefetch = 0 : i64, scratch_operands = 0 : i64, tpu.core_type = #tpu.core_type<tc>, window_params = [{transform_indices = @transform_0, window_bounds = array<i64: 1, 1, 512>}, {}, {transform_indices = @transform_2, window_bounds = array<i64: 512, 2048>}]} {
    %get3A = arith.constant 0 : index
    %get3A_0 = arith.constant 0 : index
    %get3A_1 = arith.constant 0 : index
    %get3A_2 = vector.load %arg1[%get3A, %get3A_0, %get3A_1] : memref<1x1x512xi32, #tpu.memory_space<vmem>>, vector<1x1x512xi32>
    %get3A_3 = vector.shape_cast %get3A_2 : vector<1x1x512xi32> to vector<512xi32>
    %sub3A = arith.constant 1 : i32
    %sub3A_4 = vector.broadcast %sub3A : i32 to vector<512xi32>
    %sub3A_5 = arith.subi %get3A_3, %sub3A_4 : vector<512xi32>
    %lt3A = arith.constant 0 : i32
    %lt3A_6 = vector.broadcast %lt3A : i32 to vector<512xi32>
    %lt3A_7 = arith.cmpi slt, %sub3A_5, %lt3A_6 : vector<512xi32>
    %add3A = arith.constant 2048 : i32
    %add3A_8 = vector.broadcast %add3A : i32 to vector<512xi32>
    %add3A_9 = arith.addi %sub3A_5, %add3A_8 : vector<512xi32>
    %select_n3A = arith.select %lt3A_7, %add3A_9, %sub3A_5 : vector<512xi1>, vector<512xi32>
    %max3A = arith.constant 0 : i32
    %max3A_10 = vector.broadcast %max3A : i32 to vector<512xi32>
    %max3A_11 = arith.maxsi %select_n3A, %max3A_10 : vector<512xi32>
    %min3A = arith.constant 2047 : i32
    %min3A_12 = vector.broadcast %min3A : i32 to vector<512xi32>
    %min3A_13 = arith.minsi %max3A_11, %min3A_12 : vector<512xi32>
    %iota3A = tpu.iota {dimensions = array<i32: 1>} : vector<512x2048xi32>
    %broadcast_in_dim3A = vector.shape_cast %min3A_13 : vector<512xi32> to vector<512x1xi32>
    %gt3A = vector.broadcast %broadcast_in_dim3A : vector<512x1xi32> to vector<512x2048xi32>
    %gt3A_14 = arith.cmpi sgt, %iota3A, %gt3A : vector<512x2048xi32>
    %convert_element_type3A = arith.extui %gt3A_14 : vector<512x2048xi1> to vector<512x2048xi32>
    %convert_element_type3A_15 = arith.sitofp %convert_element_type3A : vector<512x2048xi32> to vector<512x2048xf32>
    %swap3A = arith.constant 0 : index
    %swap3A_16 = arith.constant 0 : index
    %swap3A_17 = vector.load %arg3[%swap3A, %swap3A_16] : memref<512x2048xf32, #tpu.memory_space<vmem>>, vector<512x2048xf32>
    tpu.vector_store %arg3[%swap3A, %swap3A_16], %convert_element_type3A_15 {strides = array<i32>} : memref<512x2048xf32, #tpu.memory_space<vmem>>, vector<512x2048xf32>,
    return
  }
  func.func @transform_0(%arg0: i32) -> (i32, i32, i32) {
    %c0_i32 = arith.constant 0 : i32
    %c0_i32_0 = arith.constant 0 : i32
    %c0_i32_1 = arith.constant 0 : i32
    return %arg0, %c0_i32, %c0_i32_0 : i32, i32, i32
  }
  func.func @transform_2(%arg0: i32) -> (i32, i32) {
    %c0_i32 = arith.constant 0 : i32
    %c0_i32_0 = arith.constant 0 : i32
    return %arg0, %c0_i32 : i32, i32
  }
}

</mosaic_0001>

<sc_bundles>
// kernel: _make_pad_mask.4.cloned.1.call-start
scs
__scs_entry_jumppad:
0x0: {  	(pc) =	sbr.rel $0x88, $3  }
0x1: {  	(tag) =	ssettag $0x0;
	lr =	simm.s32 $0x1  }
0x2: {  	[smem:$0x3F9F] =	sst lr;
	_ =	strace $0xD0000000  }
0x3: {  	_ = 	snop  }
0x4: {  	_ = 	snop  }
0x5: {  	_ = 	snop  }
0x6: {  	_ = 	snop  }
0x7: {  	_ = 	snop  }
__scs_overlays_trampoline_lowered:
0x8: {  	[smem:$0x3FAE] =	sst s0  }
0x9: {  	[smem:$0x3FAF] =	sst s1  }
0xa: {  	[smem:$0x3FB0] =	sst s2  }
0xb: {  	[smem:$0x3FB1] =	sst s3  }
0xc: {  	[smem:$0x3FB2] =	sst s4  }
0xd: {  	[smem:$0x3FB3] =	sst s5  }
0xe: {  	[smem:$0x3FB4] =	sst s6  }
0xf: {  	[smem:$0x3FB5] =	sst s7  }
0x10: {  	[smem:$0x3FB6] =	sst s8  }
0x11: {  	[smem:$0x3FB7] =	sst s9;
	s0 =	simm.s32 @!p0 $0x0  }
0x12: {  	s1 =	sld [smem:$0x3F9D];
	s0 =	simm.s32 @p0 $0x1  }
0x13: {  	[smem:$0x3FB8] =	sst s0;
	s0 =	simm.s32 @!p1 $0x0  }
0x14: {  	s2 =	sld [smem:$0x3F9C];
	s0 =	simm.s32 @p1 $0x1  }
0x15: {  	[smem:$0x3FB9] =	sst s0;
	s0 =	simm.s32 @!p2 $0x0  }
0x16: {  	s3 =	sld [smem:$0x3FDB];
	s0 =	simm.s32 @p2 $0x1  }
0x17: {  	s4 =	simm.s32 $0x1BF5;
	[smem:$0x3FBB] =	sst s0  }
0x18: {  	s0 =	sld [smem:$0x3F9E];
	_ =	swait.ge [sflag:s4], $0x0  }
0x19: {  	s7 =	sld [smem:$0x3F9F]  }
0x1a: {  	s8 =	sadd.s32 $0xFFFFE003, lr  }
0x1b: {  	s9 =	sadd.s32 $0xFFFFFEF7, lr;
	s5 =	simm.s32 $0xFFFFFFFF;
	p2 =	slt.u32 s8, $0xFFFFF086  }
0x1c: {  	p1 =	slt.u32 s9, $0xF7A;
	s5 =	simm.s32 @!p2 $0x0  }
0x1d: {  	s5 =	simm.s32 @p1 $0x1;
	p0 =	seq.s32 s7, s2  }
0x1e: {  	s7 =	smul.u32 @!p0 $0xF7A, s2;
	p2 =	seq.s32 @!p0 s5, $0x0  }
0x1f: {  	s9 =	smul.u32 $0xF7A, s1;
	s8 =	simm.s32 @!p0 $0x1BF5;
	p2 =	por !p2, p0  }
0x20: {  	[sflag:s8] =	ssyncset.s32 @!p0 $0xFFFFF086;
	s6 =	sadd.s32 @!p0 s3, s7;
	s7 =	simm.s32 @!p0 $0x108  }
0x21: {  	s3 =	sadd.s32 s3, s9;
	s6 =	sadd.s32 @!p0 $0x88, s6;
	s7 =	simm.s32 @p2 $0x1082  }
0x22: {  	[simem:s7], [sflag:s8] =	dma.local @!p0 [hbm:s6], $0xF7A  }
0x23: {  	s9 =	sor.u32 $0xD0000000, s2;
	s6 =	simm.s32 $0x108;
	_ =	swait.ge @!p0 [sflag:s8], $0x0  }
0x24: {  	s3 =	sadd.s32 $0x88, s3;
	s6 =	simm.s32 @!p1 $0x1082;
	[sflag:s4] =	ssyncset.s32 $0xFFFFF086  }
0x25: {  	[simem:s6], [sflag:s4] =	dma.local [hbm:s3], $0xF7A  }
0x26: {  	[smem:$0x3F9F] =	sst s1;
	(tag) =	ssettag s2;
	_ =	strace s9  }
0x27: {  	s1 =	sld [smem:$0x3FAF]  }
0x28: {  	s2 =	sld [smem:$0x3FB0]  }
0x29: {  	s4 =	sld [smem:$0x3FB2]  }
0x2a: {  	p0 =	seq.s32 s5, $0x0;
	s5 =	sld [smem:$0x3FB3]  }
0x2b: {  	s6 =	sld [smem:$0x3FB4]  }
0x2c: {  	s7 =	sld [smem:$0x3FB5]  }
0x2d: {  	s3 =	simm.s32 $0x108;
	s8 =	sld [smem:$0x3FB6]  }
0x2e: {  	s3 =	simm.s32 @!p0 $0x1082;
	s9 =	sld [smem:$0x3FB7]  }
0x2f: {  	lr =	sadd.s32 s0, s3;
	s0 =	sld [smem:$0x3FAE]  }
0x30: {  	s3 =	sld [smem:$0x3FB1]  }
0x31: {  	[smem:$0x3FBA] =	sst s10  }
0x32: {  	s10 =	sld [smem:$0x3FB8];
	_ =	sdelay $0x3  }
0x33: {  	p0 =	seq.s32 s10, $0x1;
	s10 =	sld [smem:$0x3FBA];
	_ =	sdelay $0x3  }
0x34: {  	[smem:$0x3FBA] =	sst s10  }
0x35: {  	s10 =	sld [smem:$0x3FB9];
	_ =	sdelay $0x3  }
0x36: {  	p1 =	seq.s32 s10, $0x1;
	s10 =	sld [smem:$0x3FBA];
	_ =	sdelay $0x3  }
0x37: {  	[smem:$0x3FBA] =	sst s10  }
0x38: {  	s10 =	sld [smem:$0x3FBB]  }
0x39: {  	_ = 	snop;
	(pc) =	sbr.ind lr, $3  }
0x3a: {  	_ = 	snop  }
0x3b: {  	_ = 	snop  }
0x3c: {  	p2 =	seq.s32 s10, $0x1;
	s10 =	sld [smem:$0x3FBA]  }
0x3d: {  	_ =	shalt  }
0x3e: {  	_ =	shalt  }
0x3f: {  	_ =	shalt  }
0x40: {  	_ =	shalt  }
0x41: {  	_ =	shalt  }
0x42: {  	_ =	shalt  }
0x43: {  	_ =	shalt  }
0x44: {  	_ =	shalt  }
0x45: {  	_ =	shalt  }
0x46: {  	_ =	shalt  }
0x47: {  	_ =	shalt  }
0x48: {  	_ =	shalt  }
0x49: {  	_ =	shalt  }
0x4a: {  	_ =	shalt  }
0x4b: {  	_ =	shalt  }
0x4c: {  	_ =	shalt  }
0x4d: {  	_ =	shalt  }
0x4e: {  	_ =	shalt  }
0x4f: {  	_ =	shalt  }
0x50: {  	_ =	shalt  }
0x51: {  	_ =	shalt  }
0x52: {  	_ =	shalt  }
0x53: {  	_ =	shalt  }
0x54: {  	_ =	shalt  }
0x55: {  	_ =	shalt  }
0x56: {  	_ =	shalt  }
0x57: {  	_ =	shalt  }
0x58: {  	_ =	shalt  }
0x59: {  	_ =	shalt  }
0x5a: {  	_ =	shalt  }
0x5b: {  	_ =	shalt  }
0x5c: {  	_ =	shalt  }
0x5d: {  	_ =	shalt  }
0x5e: {  	_ =	shalt  }
0x5f: {  	_ =	shalt  }
0x60: {  	_ =	shalt  }
0x61: {  	_ =	shalt  }
0x62: {  	_ =	shalt  }
0x63: {  	_ =	shalt  }
0x64: {  	_ =	shalt  }
0x65: {  	_ =	shalt  }
0x66: {  	_ =	shalt  }
0x67: {  	_ =	shalt  }
0x68: {  	_ =	shalt  }
0x69: {  	_ =	shalt  }
0x6a: {  	_ =	shalt  }
0x6b: {  	_ =	shalt  }
0x6c: {  	_ =	shalt  }
0x6d: {  	_ =	shalt  }
0x6e: {  	_ =	shalt  }
0x6f: {  	_ =	shalt  }
0x70: {  	_ =	shalt  }
0x71: {  	_ =	shalt  }
0x72: {  	_ =	shalt  }
0x73: {  	_ =	shalt  }
0x74: {  	_ =	shalt  }
0x75: {  	_ =	shalt  }
0x76: {  	_ =	shalt  }
0x77: {  	_ =	shalt  }
0x78: {  	_ =	shalt  }
0x79: {  	_ =	shalt  }
0x7a: {  	_ =	shalt  }
0x7b: {  	_ =	shalt  }
0x7c: {  	_ =	shalt  }
0x7d: {  	_ =	shalt  }
0x7e: {  	_ =	shalt  }
0x7f: {  	_ =	shalt  }
0x80: {  	_ =	shalt  }
0x81: {  	_ =	shalt  }
0x82: {  	_ =	shalt  }
0x83: {  	_ =	shalt  }
0x84: {  	_ =	shalt  }
0x85: {  	_ =	shalt  }
0x86: {  	_ =	shalt  }
0x87: {  	_ =	shalt  }
.Lfunc_end0:
.L_simem_size_0:
called_computation_lowered:
.L_overlay_start_0:
0x88: {  	s2 =	sld [smem:$0x3FD9]  }
0x89: {  	s3 =	sld [smem:$0x3FFE];
	_ =	sdelay $0x1  }
0x8a: {  	s1 =	srdreg.scid  }
0x8b: {  	s0 =	sand.u32 $0x1, s1  }
0x8c: {  	s17 =	sshll.u32 s0, $0xA;
	s2 =	sadd.s32 s3, s2  }
0x8d: {  	s2 =	sadd.s32 s2, s17  }
0x8e: {  	[smem:$0x3FC6] =	sst s2  }
0x8f: {  	_ = 	snop  }
0x90: {  	s2 =	sld [smem:$0x3FC8]  }
0x91: {  	s18 =	sld [smem:$0x3FD0];
	(tm) =	ssettm $0x1  }
0x92: {  	s4 =	sld [smem:$0x3FFB];
	_ =	sdelay $0x3  }
0x93: {  	_ =	strace s4  }
0x94: {  	s4 =	sld [smem:$0x3FFC];
	_ =	sdelay $0x3  }
0x95: {  	_ =	strace s4  }
0x96: {  	s4 =	sld [smem:$0x3FFD];
	_ =	sdelay $0x3  }
0x97: {  	_ =	strace s4  }
0x98: {  	_ =	strace $0x8FFFFFFF  }
0x99: {  	s19 =	sld [smem:$0x3FDB];
	_ =	sdelay $0x1  }
0x9a: {  	s5 =	simm.s32 $_scs_section_size  }
0x9b: {  	s6 =	simm.s32 $_size__tile_overlayer_lowered;
	s7 =	simm.s32 $_tile_overlayer_lowered  }
0x9c: {  	s22 =	simm.s32 $0x1BFF;
	s21 =	sshll.u32 s7, $0x1;
	s4 =	sadd.s32 s5, s19  }
0x9d: {  	s8 =	simm.s32 $0x0;
	s20 =	sshll.u32 s6, $0x1;
	s6 =	sadd.s32 s21, s4  }
0x9e: {  	[timem:s8], [sflag:s22] =	dma.local [hbm:s6], s20  }
0x9f: {  	_ =	swait.ge [sflag:s22], s20  }
0xa0: {  	s5 =	ssub.s32 $0x0, s20;
	[sflag:s22] =	ssyncset.done $0x0  }
0xa1: {  	[sflag:s22] =	ssyncadd.s32 s5;
	_ =	sdelay $0x1  }
0xa2: {  	s23 =	simm.s32 $0x1B8B  }
0xa3: {  	_ =	swait.ge [sflag:s23], $0x1  }
0xa4: {  	[sflag:s23] =	ssyncset.done $0x0  }
0xa5: {  	s25 =	simm.s32 $0x1B8E;
	s24 =	sld [smem:$0x3FFE];
	[sflag:s23] =	ssyncadd.s32 $0xFFFFFFFF  }
0xa6: {  	s26 =	simm.s32 $execute0_lowered;
	[smem:$0x3FD2] =	sst s25  }
0xa7: {  	s6 =	sshll.u32 s26, $0x1;
	_ =	strace $0x80000046;
	[dreg:$0x1] =	wrdreg $0xFFFFFFFF  }
0xa8: {  	s28 =	simm.s32 $_size_execute0_lowered;
	s4 =	sadd.s32 s4, s6;
	[dreg:$0x0] =	wrdreg $0x0  }
0xa9: {  	s6 =	sshll.u32 s28, $0x1;
	[dreg:$0x2] =	wrdreg s4  }
0xaa: {  	[dreg:$0x3] =	wrdreg s6  }
0xab: {  	[dreg:$0x4] =	wrdreg $0xC0  }
0xac: {  	_ =	task [dreg:s8], $0x5FFFF  }
0xad: {  	[dreg:$0x1] =	wrdreg $0xFFFFFFFF  }
0xae: {  	[dreg:$0x0] =	wrdreg $0x60  }
0xaf: {  	[dreg:$0x2] =	wrdreg s24  }
0xb0: {  	[dreg:$0x3] =	wrdreg s2  }
0xb1: {  	[dreg:$0x4] =	wrdreg s18  }
0xb2: {  	[dreg:$0x5] =	wrdreg $0x9  }
0xb3: {  	_ =	task.clear_ibuf [dreg:s8], $0x6FFFF;
	_ =	strace $0x90000046  }
0xb4: {  	s29 =	simm.s32 $0x9;
	_ =	strace $0x80000048  }
0xb5: {  	_ =	swait.ge [sflag:s29], $0x1  }
0xb6: {  	[sflag:s29] =	ssyncadd.s32 $0xFFFFFFFF  }
0xb7: {  	_ =	strace $0x90000048  }
0xb8: {  	_ =	sfence  }
0xb9: {  	s30 =	sld [smem:$0x0];
	_ =	sdelay $0x2  }
0xba: {  	s31 =	sshll.u32 s1, $0xD;
	s1 =	sshrl.u32 s1, $0x2  }
0xbb: {  	s3 =	sand.u32 $0x4000, s31;
	s1 =	sadd.s32 s1, s30  }
0xbc: {  	s0 =	sor.u32 s3, s0;
	s1 =	sshll.u32 s1, $0x11  }
0xbd: {  	s0 =	sor.u32 s1, s0  }
0xbe: {  	s0 =	sadd.s32 $0x8F2B, s0  }
0xbf: {  	[sflag:s0] =	ssyncadd.remote.s32 $0x1  }
0xc0: {  	_ =	sfence.sel $0xFFFF  }
0xc1: {  	[dreg:$0x0] =	wrdreg $0xFFFFFFFF;
	(pc) =	sbr.abs _section_cstart, $3  }
0xc2: {  	[dreg:$0x1] =	wrdreg $0xFFFFFFFF  }
0xc3: {  	_ =	task.clear_ibuf [dreg:s8], $0x2FFFF;
	_ =	strace $0x9FFFFFFF  }
0xc4: {  	(tm) =	ssettm $0x7FFFFFFF  }
0xc5: {  	_ =	shalt  }
tec
execute0_lowered:
.L_overlay_start_1:
0x0: {  	(tag) =	ssettag $0x1  }
0x1: {  	s1 =	rddreg [dreg:$0x0]  }
0x2: {  	s3 =	srdreg.scid;
	s2 =	rddreg [dreg:$0x1]  }
0x3: {  	s5 =	rddreg [dreg:$0x2];
	s4 =	sand.u32 $0x1, s3;
	s3 =	simm.s32 $0x0  }
0x4: {  	s0 =	stileid.u32;
	s11 =	simm.s32 $0x900;
	[smem:$0x7FF] =	sst s3  }
0x5: {  	s12 =	simm.s32 $0x1100;
	_ =	strace $0x80000047;
	[dreg:$0x7] =	wrdreg s11  }
0x6: {  	s13 =	simm.s32 $0x1900;
	s14 =	simm.s32 $0x2100;
	[dreg:$0x8] =	wrdreg s12  }
0x7: {  	s15 =	simm.s32 $0x2900;
	s17 =	simm.s32 $0x3100;
	[dreg:$0x9] =	wrdreg s13  }
0x8: {  	s18 =	simm.s32 $0x3900;
	s19 =	simm.s32 $0x4100;
	[dreg:$0xa] =	wrdreg s14  }
0x9: {  	s20 =	simm.s32 $0x4900;
	s21 =	simm.s32 $0x5100;
	[dreg:$0xb] =	wrdreg s15  }
0xa: {  	s22 =	simm.s32 $0x5900;
	s23 =	simm.s32 $0x6100;
	[dreg:$0xc] =	wrdreg s17  }
0xb: {  	s24 =	simm.s32 $0x6900;
	s25 =	simm.s32 $0x7100;
	[dreg:$0xd] =	wrdreg s18  }
0xc: {  	s26 =	simm.s32 $0x7900;
	s28 =	simm.s32 $0xE900;
	[dreg:$0xe] =	wrdreg s19  }
0xd: {  	s29 =	simm.s32 $0xF100;
	s30 =	simm.s32 $0xF900;
	[dreg:$0xf] =	wrdreg s20  }
0xe: {  	s31 =	simm.s32 $0x1;
	s8 =	sshll.u32 s0, $0x1;
	[dreg:$0x10] =	wrdreg s21  }
0xf: {  	s6 =	sor.u32 s4, s8;
	s4 =	ssub.s32 $0x2, s4;
	[dreg:$0x11] =	wrdreg s22  }
0x10: {  	s8 =	sadd.s32 $0x500, s2;
	s7 =	sshll.u32 s6, $0x5;
	[dreg:$0x12] =	wrdreg s23  }
0x11: {  	s6 =	sshll.u32 s6, $0xD;
	s16 =	sshrl.u32 s4, $0x1;
	[dreg:$0x13] =	wrdreg s24  }
0x12: {  	[dreg:$0x14] =	wrdreg s25;
	s12 =	simm.s32 $0x3;
	s13 =	simm.s32 $0x100  }
0x13: {  	[dreg:$0x15] =	wrdreg s26;
	s14 =	simm.s32 $0x8100;
	s17 =	simm.s32 $0x9900  }
0x14: {  	s18 =	simm.s32 $0xA100;
	s19 =	simm.s32 $0xA900;
	s20 =	simm.s32 $0xB100  }
0x15: {  	s21 =	simm.s32 $0xB900;
	s22 =	simm.s32 $0xC100;
	s23 =	simm.s32 $0xC900  }
0x16: {  	s24 =	simm.s32 $0xD100;
	s25 =	simm.s32 $0xD900;
	s26 =	simm.s32 $0xE100  }
0x17: {  	s1 =	sadd.s32 s7, s1;
	s5 =	sadd.s32 s6, s5;
	s11 =	ssub.s32 s4, s16  }
0x18: {  	s4 =	sadd.s32 $0x100, s2;
	s6 =	sadd.s32 $0x300, s2;
	s1 =	sadd.s32 $0x4200, s1  }
0x19: {  	s7 =	sadd.s32 $0x400, s2;
	s9 =	sadd.s32 $0x3C0000, s5;
	[dreg:$0x4] =	wrdreg s1  }
0x1a: {  	v2 =	vlaneseq.u32;
	s16 =	simm.s32 $0x9100;
	s10 =	sadd.s32 $0x3C1000, s5;
	[dreg:$0x5] =	wrdreg s9  }
0x1b: {  	vm0 =	vmmov $0xffff;
	v1 =	vshrl.u32 v2, $0x3;
	s5 =	sadd.s32 $0x200, s2;
	s11 =	smax.u32 s11, $0x1;
	[dreg:$0x6] =	wrdreg s10  }
0x1c: {  	v0 =	vand.u32 $0x7, v2;
	v2 =	vor.u32 $0x8, v2;
	v1 =	vmul.u32 $0x8, v1;
	s9 =	sadd.s32 $0x600, s2;
	s10 =	sadd.s32 $0x700, s2;
	s1 =	simm.s32 $0x2  }
.LBB2_1:
0x1d: {  	s0 =	rddreg [dreg:$0x4]  }
0x1e: {  	[tilespmem:s3], [sflag:$0x3] =	stream.linear.gather [hbm4b:s0+s3], $0x100, $0x38;
	[tilespmem:$0x10100] =	vst v63  }
0x1f: {  	_ =	swait.ge [sflag:s12], $0x100  }
0x20: {  	[sflag:s12] =	ssyncset.done $0x0  }
0x21: {  	[sflag:s12] =	ssyncadd.s32 $0xFFFFFF00  }
0x22: {  	v3 =	vld [tilespmem:$0x0];
	_ =	sdelay $0x4  }
0x23: {  	v4 =	vadd.s32 $0xFFFFFFFF, v3  }
0x24: {  	v3 =	vadd.s32 $0x7FF, v3;
	vm1 =	vlt.s32 v4, $0x0  }
0x25: {  	v3 =	vsel vm1, v3, v4  }
0x26: {  	vm1 =	vgt.s32 v3, $0x0  }
0x27: {  	v3 =	vnsel vm1, $0x0, v3  }
0x28: {  	v3 =	vmin.u32 v3, $0x7FF  }
0x29: {  	v61 =	vshll.u32 v3, $0x4  }
0x2a: {  	v3 =	vand.u32 $0x7, v3;
	v4 =	vand.u32 $0x7F80, v61  }
0x2b: {  	v3 =	vor.u32 v3, v4  }
0x2c: {  	v4 =	vperm.xlane v3, v0;
	_ =	sdelay $0x1  }
0x2d: {  	v4 =	vadd.s32 v1, v4;
	_ =	sdelay $0x4  }
0x2e: {  	[tilespmem:s13], [sflag:$0x1] =	stream.indirect_vreg.gather [hbm4b:s2+s3], $0x80, v4, vm0, $0xb8;
	[tilespmem:$0x10100] =	vst v63  }
0x2f: {  	s0 =	rddreg [dreg:$0x7]  }
0x30: {  	[tilespmem:s0], [sflag:$0x1] =	stream.indirect_vreg.gather [hbm4b:s4+s3], $0x80, v4, vm0, $0xb8;
	[tilespmem:$0x10100] =	vst v63  }
0x31: {  	s15 =	rddreg [dreg:$0x8]  }
0x32: {  	[tilespmem:s15], [sflag:$0x1] =	stream.indirect_vreg.gather [hbm4b:s5+s3], $0x80, v4, vm0, $0xb8;
	[tilespmem:$0x10100] =	vst v63  }
0x33: {  	s0 =	rddreg [dreg:$0x9]  }
0x34: {  	[tilespmem:s0], [sflag:$0x1] =	stream.indirect_vreg.gather [hbm4b:s6+s3], $0x80, v4, vm0, $0xb8;
	[tilespmem:$0x10100] =	vst v63  }
0x35: {  	s15 =	rddreg [dreg:$0xa]  }
0x36: {  	[tilespmem:s15], [sflag:$0x1] =	stream.indirect_vreg.gather [hbm4b:s7+s3], $0x80, v4, vm0, $0xb8;
	[tilespmem:$0x10100] =	vst v63  }
0x37: {  	v3 =	vperm.xlane v3, v2;
	s0 =	rddreg [dreg:$0xb]  }
0x38: {  	[tilespmem:s0], [sflag:$0x1] =	stream.indirect_vreg.gather [hbm4b:s8+s3], $0x80, v4, vm0, $0xb8;
	[tilespmem:$0x10100] =	vst v63  }
0x39: {  	v3 =	vadd.s32 v1, v3;
	s15 =	rddreg [dreg:$0xc]  }
0x3a: {  	[tilespmem:s15], [sflag:$0x1] =	stream.indirect_vreg.gather [hbm4b:s9+s3], $0x80, v4, vm0, $0xb8;
	[tilespmem:$0x10100] =	vst v63  }
0x3b: {  	s0 =	rddreg [dreg:$0xd]  }
0x3c: {  	[tilespmem:s0], [sflag:$0x1] =	stream.indirect_vreg.gather [hbm4b:s10+s3], $0x80, v4, vm0, $0xb8;
	[tilespmem:$0x10100] =	vst v63  }
0x3d: {  	s15 =	rddreg [dreg:$0xe]  }
0x3e: {  	[tilespmem:s15], [sflag:$0x1] =	stream.indirect_vreg.gather [hbm4b:s2+s3], $0x80, v3, vm0, $0xb8;
	[tilespmem:$0x10100] =	vst v63  }
0x3f: {  	s0 =	rddreg [dreg:$0xf]  }
0x40: {  	[tilespmem:s0], [sflag:$0x1] =	stream.indirect_vreg.gather [hbm4b:s4+s3], $0x80, v3, vm0, $0xb8;
	[tilespmem:$0x10100] =	vst v63  }
0x41: {  	s15 =	rddreg [dreg:$0x10]  }
0x42: {  	[tilespmem:s15], [sflag:$0x1] =	stream.indirect_vreg.gather [hbm4b:s5+s3], $0x80, v3, vm0, $0xb8;
	[tilespmem:$0x10100] =	vst v63  }
0x43: {  	s0 =	rddreg [dreg:$0x11]  }
0x44: {  	[tilespmem:s0], [sflag:$0x1] =	stream.indirect_vreg.gather [hbm4b:s6+s3], $0x80, v3, vm0, $0xb8;
	[tilespmem:$0x10100] =	vst v63  }
0x45: {  	s15 =	rddreg [dreg:$0x12]  }
0x46: {  	[tilespmem:s15], [sflag:$0x1] =	stream.indirect_vreg.gather [hbm4b:s7+s3], $0x80, v3, vm0, $0xb8;
	[tilespmem:$0x10100] =	vst v63  }
0x47: {  	s0 =	rddreg [dreg:$0x13]  }
0x48: {  	[tilespmem:s0], [sflag:$0x1] =	stream.indirect_vreg.gather [hbm4b:s8+s3], $0x80, v3, vm0, $0xb8;
	[tilespmem:$0x10100] =	vst v63  }
0x49: {  	s15 =	rddreg [dreg:$0x14]  }
0x4a: {  	[tilespmem:s15], [sflag:$0x1] =	stream.indirect_vreg.gather [hbm4b:s9+s3], $0x80, v3, vm0, $0xb8;
	[tilespmem:$0x10100] =	vst v63  }
0x4b: {  	s0 =	rddreg [dreg:$0x15]  }
0x4c: {  	[tilespmem:s0], [sflag:$0x1] =	stream.indirect_vreg.gather [hbm4b:s10+s3], $0x80, v3, vm0, $0xb8;
	[tilespmem:$0x10100] =	vst v63  }
0x4d: {  	v3 =	vld [tilespmem:$0x80];
	_ =	sdelay $0x4  }
0x4e: {  	v62 =	vadd.s32 $0xFFFFFFFF, v3  }
0x4f: {  	v3 =	vadd.s32 $0x7FF, v3;
	vm1 =	vlt.s32 v62, $0x0  }
0x50: {  	v3 =	vsel vm1, v3, v62  }
0x51: {  	vm1 =	vgt.s32 v3, $0x0  }
0x52: {  	v3 =	vnsel vm1, $0x0, v3  }
0x53: {  	v3 =	vmin.u32 v3, $0x7FF  }
0x54: {  	v63 =	vshll.u32 v3, $0x4  }
0x55: {  	v3 =	vand.u32 $0x7, v3;
	v4 =	vand.u32 $0x7F80, v63  }
0x56: {  	v3 =	vor.u32 v3, v4  }
0x57: {  	v4 =	vperm.xlane v3, v0;
	_ =	sdelay $0x1  }
0x58: {  	v4 =	vadd.s32 v1, v4;
	_ =	sdelay $0x4  }
0x59: {  	[tilespmem:s14], [sflag:$0x2] =	stream.indirect_vreg.gather [hbm4b:s2+s3], $0x80, v4, vm0, $0xb8;
	[tilespmem:$0x10100] =	vst v63  }
0x5a: {  	s15 =	simm.s32 $0x8900  }
0x5b: {  	[tilespmem:s15], [sflag:$0x2] =	stream.indirect_vreg.gather [hbm4b:s4+s3], $0x80, v4, vm0, $0xb8;
	[tilespmem:$0x10100] =	vst v63  }
0x5c: {  	_ = 	snop  }
0x5d: {  	[tilespmem:s16], [sflag:$0x2] =	stream.indirect_vreg.gather [hbm4b:s5+s3], $0x80, v4, vm0, $0xb8;
	[tilespmem:$0x10100] =	vst v63  }
0x5e: {  	_ = 	snop  }
0x5f: {  	[tilespmem:s17], [sflag:$0x2] =	stream.indirect_vreg.gather [hbm4b:s6+s3], $0x80, v4, vm0, $0xb8;
	[tilespmem:$0x10100] =	vst v63  }
0x60: {  	_ = 	snop  }
0x61: {  	[tilespmem:s18], [sflag:$0x2] =	stream.indirect_vreg.gather [hbm4b:s7+s3], $0x80, v4, vm0, $0xb8;
	[tilespmem:$0x10100] =	vst v63  }
0x62: {  	v3 =	vperm.xlane v3, v2  }
0x63: {  	[tilespmem:s19], [sflag:$0x2] =	stream.indirect_vreg.gather [hbm4b:s8+s3], $0x80, v4, vm0, $0xb8;
	[tilespmem:$0x10100] =	vst v63  }
0x64: {  	v3 =	vadd.s32 v1, v3  }
0x65: {  	[tilespmem:s20], [sflag:$0x2] =	stream.indirect_vreg.gather [hbm4b:s9+s3], $0x80, v4, vm0, $0xb8;
	[tilespmem:$0x10100] =	vst v63  }
0x66: {  	_ = 	snop  }
0x67: {  	[tilespmem:s21], [sflag:$0x2] =	stream.indirect_vreg.gather [hbm4b:s10+s3], $0x80, v4, vm0, $0xb8;
	[tilespmem:$0x10100] =	vst v63  }
0x68: {  	_ = 	snop  }
0x69: {  	[tilespmem:s22], [sflag:$0x2] =	stream.indirect_vreg.gather [hbm4b:s2+s3], $0x80, v3, vm0, $0xb8;
	[tilespmem:$0x10100] =	vst v63  }
0x6a: {  	_ = 	snop  }
0x6b: {  	[tilespmem:s23], [sflag:$0x2] =	stream.indirect_vreg.gather [hbm4b:s4+s3], $0x80, v3, vm0, $0xb8;
	[tilespmem:$0x10100] =	vst v63  }
0x6c: {  	_ = 	snop  }
0x6d: {  	[tilespmem:s24], [sflag:$0x2] =	stream.indirect_vreg.gather [hbm4b:s5+s3], $0x80, v3, vm0, $0xb8;
	[tilespmem:$0x10100] =	vst v63  }
0x6e: {  	_ = 	snop  }
0x6f: {  	[tilespmem:s25], [sflag:$0x2] =	stream.indirect_vreg.gather [hbm4b:s6+s3], $0x80, v3, vm0, $0xb8;
	[tilespmem:$0x10100] =	vst v63  }
0x70: {  	_ = 	snop  }
0x71: {  	[tilespmem:s26], [sflag:$0x2] =	stream.indirect_vreg.gather [hbm4b:s7+s3], $0x80, v3, vm0, $0xb8;
	[tilespmem:$0x10100] =	vst v63  }
0x72: {  	_ = 	snop  }
0x73: {  	[tilespmem:s28], [sflag:$0x2] =	stream.indirect_vreg.gather [hbm4b:s8+s3], $0x80, v3, vm0, $0xb8;
	[tilespmem:$0x10100] =	vst v63  }
0x74: {  	_ = 	snop  }
0x75: {  	[tilespmem:s29], [sflag:$0x2] =	stream.indirect_vreg.gather [hbm4b:s9+s3], $0x80, v3, vm0, $0xb8;
	[tilespmem:$0x10100] =	vst v63  }
0x76: {  	_ = 	snop  }
0x77: {  	[tilespmem:s30], [sflag:$0x2] =	stream.indirect_vreg.gather [hbm4b:s10+s3], $0x80, v3, vm0, $0xb8;
	[tilespmem:$0x10100] =	vst v63  }
0x78: {  	_ =	swait.ge [sflag:s31], $0x8000  }
0x79: {  	[sflag:s31] =	ssyncset.done $0x0  }
0x7a: {  	s15 =	rddreg [dreg:$0x5];
	[sflag:s31] =	ssyncadd.s32 $0xFFFF8000  }
0x7b: {  	[hbm4b:s15+s3] =	stream.linear.scatter [tilespmem:s13], [sflag:$0x3], $0x8000, $0x38;
	[tilespmem:$0x10100] =	vst v63  }
0x7c: {  	_ =	swait.ge [sflag:s12], $0x8000  }
0x7d: {  	[sflag:s12] =	ssyncset.done $0x0  }
0x7e: {  	[sflag:s12] =	ssyncadd.s32 $0xFFFF8000  }
0x7f: {  	_ =	swait.ge [sflag:s1], $0x8000  }
0x80: {  	p0 =	sne.s32 s11, $0x1;
	[sflag:s1] =	ssyncset.done $0x0  }
.Ltmp0:
0x81: {  	s15 =	rddreg [dreg:$0x6];
	[sflag:s1] =	ssyncadd.s32 $0xFFFF8000;
	(pc) =	sbr.rel @p0 .LBB2_1-.Ltmp0, $4  }
0x82: {  	[hbm4b:s15+s3] =	stream.linear.scatter [tilespmem:s14], [sflag:$0x3], $0x8000, $0x38;
	[tilespmem:$0x10100] =	vst v63  }
0x83: {  	_ =	swait.ge [sflag:s12], $0x8000  }
0x84: {  	[sflag:s12] =	ssyncset.done $0x0  }
0x85: {  	s11 =	sadd.s32 $0xFFFFFFFF, s11;
	[sflag:s12] =	ssyncadd.s32 $0xFFFF8000  }
0x86: {  	_ =	sfence.sel $0x180000  }
0x87: {  	[bflag:$0x0] =	sbarrier.arrive $0xFFFF  }
0x88: {  	_ =	strace $0x90000047  }
0x89: {  	s0 =	stileid.u32;
	[bflag:$0x2] =	sbarrier.arrive $0xFFFF  }
0x8a: {  	p0 =	sne.s32 s0, $0x0;
	s0 =	rddreg [dreg:$0x3]  }
0x8b: {  	s0 =	sadd.s32 @!p0 $0x100000, s0  }
0x8c: {  	[sflag:s0] =	ssyncadd.tile.s32 @!p0 $0x1;
	_ =	shalt  }
.Lfunc_end2:
_tile_overlayer_lowered:
.L_overlay_start_2:
0x8d: {  	(tag) =	ssettag $0x2  }
0x8e: {  	s0 =	rddreg [dreg:$0x0];
	s2 =	stileid.u32  }
0x8f: {  	s1 =	rddreg [dreg:$0x1];
	p0 =	sne.s32 s2, $0x0  }
0x90: {  	s3 =	rddreg [dreg:$0x2];
	[bflag:$0x3] =	sbarrier.arrive $0xFFFF;
	s2 =	simm.s32 @!p0 $0x1C03  }
0x91: {  	[timem:s3], [sflag:s2] =	dma.local @!p0 [hbm:s0], s1  }
0x92: {  	s0 =	simm.s32 @!p0 $0x3  }
0x93: {  	_ =	swait.ge @!p0 [sflag:s0], s1  }
0x94: {  	s1 =	ssub.s32 @!p0 $0x0, s1;
	[sflag:s0] =	ssyncset.done @!p0 $0x0  }
0x95: {  	[sflag:s0] =	ssyncadd.s32 @!p0 s1  }
0x96: {  	[bflag:$0x3] =	sbarrier.arrive $0xFFFF  }
0x97: {  	_ =	shalt  }

</sc_bundles>
